<compile_context>
chip_gen: v7x
topology: tpu7x:2x2x1
jax: 0.10.2.dev20260603
libtpu: 0.0.44.dev20260713+nightly
codegen_flags: <defaults>
</compile_context>

<pallas_src>
import functools

import jax
import jax.numpy as jnp
from jax import lax
from jax.experimental import pallas as pl
from jax.experimental.pallas import tpu as pltpu
from jax.experimental.pallas import tpu_sc as plsc

N = 10000
E = 320000
F_IN = 128
H = 128
C = 10
G = 64

NC = 2
NS = 16
NW = NC * NS
EW = E // NW
K = 125
CH = EW // K
NB = 4
CB = CH // NB
NP = 10112
ROWS_W = NP // NS

_HIGH = lax.Precision.HIGHEST


def _dot(a, b, precision=_HIGH):
    return lax.dot_general(a, b, (((1,), (0,)), ((), ())),
                           precision=precision,
                           preferred_element_type=jnp.float32)



def _sc_mesh():
    return plsc.VectorSubcoreMesh(core_axis_name="c", subcore_axis_name="s")


@jax.jit
def _sc_degree(dst3, ones16, zeros16):

    @functools.partial(
        pl.kernel,
        out_type=jax.ShapeDtypeStruct((NC, NP, H), jnp.float32),
        mesh=_sc_mesh(),
        scratch_types=[
            pltpu.VMEM_SHARED((NP, H), jnp.float32),
            pltpu.VMEM((CH, K), jnp.int32),
            pltpu.VMEM((K, H), jnp.float32),
        ],
    )
    def deg_kernel(dst_hbm, ones_hbm, zeros_hbm, out_hbm, acc, didx, ones_v):
        cid = lax.axis_index("c")
        sid = lax.axis_index("s")
        wid = sid * NC + cid

        pltpu.sync_copy(zeros_hbm.at[pl.ds(sid * ROWS_W, ROWS_W)],
                        acc.at[pl.ds(sid * ROWS_W, ROWS_W)])
        pltpu.sync_copy(dst_hbm.at[wid], didx)
        pltpu.sync_copy(ones_hbm, ones_v)
        plsc.subcore_barrier()

        @pl.loop(0, CH)
        def _(c):
            pltpu.sync_copy(ones_v, acc.at[didx.at[c]], add=True)

        plsc.subcore_barrier()
        pltpu.sync_copy(acc.at[pl.ds(sid * ROWS_W, ROWS_W)],
                        out_hbm.at[cid, pl.ds(sid * ROWS_W, ROWS_W)])

    return deg_kernel(dst3, ones16, zeros16)


@jax.jit
def _sc_aggregate(hp, edge_blk, zeros):

    @functools.partial(
        pl.kernel,
        out_type=jax.ShapeDtypeStruct((NC, NP, H), jnp.float32),
        mesh=_sc_mesh(),
        scratch_types=[
            pltpu.VMEM_SHARED((NP, H), jnp.float32),
            pltpu.VMEM((2, CB, K), jnp.int32),
            pltpu.VMEM((2, CB, K), jnp.int32),
            pltpu.VMEM((K, H), jnp.float32),
            pltpu.VMEM((K, H), jnp.float32),
            pltpu.SemaphoreType.DMA,
            pltpu.SemaphoreType.DMA,
            pltpu.SemaphoreType.DMA,
        ],
    )
    def agg_kernel(hp_hbm, edge_hbm, zeros_hbm, out_hbm,
                   acc, iba, ibb, bufa, bufb, sema, semb, semi):
        cid = lax.axis_index("c")
        sid = lax.axis_index("s")
        wid = sid * NC + cid

        pltpu.sync_copy(zeros_hbm.at[pl.ds(sid * ROWS_W, ROWS_W)],
                        acc.at[pl.ds(sid * ROWS_W, ROWS_W)])
        pltpu.sync_copy(edge_hbm.at[:, wid, 0], iba)
        plsc.subcore_barrier()

        def fire(ib, j, buf, sem):
            return pltpu.async_copy(hp_hbm.at[ib.at[0, j]], buf, sem)

        def wait_g(ib, j, buf, sem):
            pltpu.make_async_copy(hp_hbm.at[ib.at[0, j]], buf, sem).wait()

        def scat(ib, j, buf):
            pltpu.sync_copy(buf, acc.at[ib.at[1, j]], add=True)

        for b in range(NB):
            ib, ibn = (iba, ibb) if b % 2 == 0 else (ibb, iba)
            if b + 1 < NB:
                pltpu.async_copy(edge_hbm.at[:, wid, b + 1], ibn, semi)
            fire(ib, 0, bufa, sema)
            fire(ib, 1, bufb, semb)

            @pl.loop(0, CB, step=2)
            def _(j, ib=ib):
                wait_g(ib, j, bufa, sema)
                scat(ib, j, bufa)

                @pl.when(j + 2 < CB)
                def _():
                    fire(ib, j + 2, bufa, sema)

                @pl.when(j + 1 < CB)
                def _():
                    wait_g(ib, j + 1, bufb, semb)
                    scat(ib, j + 1, bufb)

                    @pl.when(j + 3 < CB)
                    def _():
                        fire(ib, j + 3, bufb, semb)

            if b + 1 < NB:
                pltpu.make_async_copy(edge_hbm.at[:, wid, b + 1], ibn, semi).wait()

        plsc.subcore_barrier()
        pltpu.sync_copy(acc.at[pl.ds(sid * ROWS_W, ROWS_W)],
                        out_hbm.at[cid, pl.ds(sid * ROWS_W, ROWS_W)])

    return agg_kernel(hp, edge_blk, zeros)



_R = 1000


def _tc_matmul(x, W):
    def body(x_ref, w_ref, o_ref):
        o_ref[...] = _dot(x_ref[...], w_ref[...])

    return pl.pallas_call(
        body,
        grid=(N // _R,),
        in_specs=[pl.BlockSpec((_R, F_IN), lambda i: (i, 0)),
                  pl.BlockSpec((F_IN, H), lambda i: (0, 0))],
        out_specs=pl.BlockSpec((_R, H), lambda i: (i, 0)),
        out_shape=jax.ShapeDtypeStruct((N, H), jnp.float32),
    )(x, W)


def _tc_prescale(t1, degp):
    def body(t_ref, d_ref, hp_ref, dis_ref):
        deg = d_ref[0, :, 0:1] + d_ref[1, :, 0:1] + 1.0
        dis = lax.rsqrt(deg)
        dis_ref[...] = dis
        hp_ref[...] = t_ref[...] * dis

    return pl.pallas_call(
        body,
        grid=(N // _R,),
        in_specs=[pl.BlockSpec((_R, H), lambda i: (i, 0)),
                  pl.BlockSpec((NC, _R, H), lambda i: (0, i, 0))],
        out_specs=[pl.BlockSpec((_R, H), lambda i: (i, 0)),
                   pl.BlockSpec((_R, 1), lambda i: (i, 0))],
        out_shape=[jax.ShapeDtypeStruct((N, H), jnp.float32),
                   jax.ShapeDtypeStruct((N, 1), jnp.float32)],
    )(t1, degp)


def _tc_layer(parts, hp, dis, b, W, relu=True):
    def body(p_ref, hp_ref, dis_ref, b_ref, w_ref, o_ref):
        dis = dis_ref[...]
        z = dis * (p_ref[0] + p_ref[1] + hp_ref[...]) + b_ref[...]
        if relu:
            z = jnp.maximum(z, 0.0)
        o_ref[...] = _dot(z, w_ref[...]) * dis

    return pl.pallas_call(
        body,
        grid=(N // _R,),
        in_specs=[pl.BlockSpec((NC, _R, H), lambda i: (0, i, 0)),
                  pl.BlockSpec((_R, H), lambda i: (i, 0)),
                  pl.BlockSpec((_R, 1), lambda i: (i, 0)),
                  pl.BlockSpec((1, H), lambda i: (0, 0)),
                  pl.BlockSpec((H, H), lambda i: (0, 0))],
        out_specs=pl.BlockSpec((_R, H), lambda i: (i, 0)),
        out_shape=jax.ShapeDtypeStruct((N, H), jnp.float32),
    )(parts, hp, dis, b, W)


def _tc_pool_head(parts, hp, dis, b3, batch2, Wl, bl):
    def body(p_ref, hp_ref, dis_ref, b_ref, bat_ref, wl_ref, bl_ref, o_ref):
        z = dis_ref[...] * (p_ref[0] + p_ref[1] + hp_ref[...]) + b_ref[...]
        gids = lax.broadcasted_iota(jnp.int32, (G, N), 0)
        mask = (bat_ref[...] == gids).astype(jnp.float32)
        sums = _dot(mask, z, precision=lax.Precision.DEFAULT)
        counts = jnp.sum(mask, axis=1, keepdims=True)
        pooled = sums / jnp.maximum(counts, 1.0)
        o_ref[...] = _dot(pooled, wl_ref[...]) + bl_ref[...]

    return pl.pallas_call(
        body,
        grid=(1,),
        in_specs=[pl.BlockSpec((NC, N, H), lambda i: (0, 0, 0)),
                  pl.BlockSpec((N, H), lambda i: (0, 0)),
                  pl.BlockSpec((N, 1), lambda i: (0, 0)),
                  pl.BlockSpec((1, H), lambda i: (0, 0)),
                  pl.BlockSpec((1, N), lambda i: (0, 0)),
                  pl.BlockSpec((H, C), lambda i: (0, 0)),
                  pl.BlockSpec((1, C), lambda i: (0, 0))],
        out_specs=pl.BlockSpec((G, C), lambda i: (0, 0)),
        out_shape=jax.ShapeDtypeStruct((G, C), jnp.float32),
    )(parts, hp, dis, b3, batch2, Wl, bl)



def kernel(x, edge_index, batch, W1, b1, W2, b2, W3, b3, Wl, bl):
    dst3 = edge_index[1].reshape(NW, CH, K)
    edge_blk = edge_index.reshape(2, NW, NB, CB, K)
    zeros = jnp.zeros((NP, H), jnp.float32)
    ones16 = jnp.ones((K, H), jnp.float32)
    batch2 = batch.reshape(1, N)
    b1r, b2r, b3r = b1.reshape(1, H), b2.reshape(1, H), b3.reshape(1, H)
    blr = bl.reshape(1, C)

    degp = _sc_degree(dst3, ones16, zeros)
    t1 = _tc_matmul(x, W1)
    h1p, dis = _tc_prescale(t1, degp)

    p1 = _sc_aggregate(h1p, edge_blk, zeros)
    h2p = _tc_layer(p1, h1p, dis, b1r, W2, relu=True)

    p2 = _sc_aggregate(h2p, edge_blk, zeros)
    h3p = _tc_layer(p2, h2p, dis, b2r, W3, relu=True)

    p3 = _sc_aggregate(h3p, edge_blk, zeros)
    return _tc_pool_head(p3, h3p, dis, b3r, batch2, Wl, blr)

# --- scband reference (transcript-rebuilt; emitter-appended) ---
"""Pipeline reference for scband-gcn-8761733283957 (READ-ONLY COPY).

The authoritative reference and input builder live on the scoring server;
editing this copy changes nothing except your own understanding.
"""

import jax, jax.numpy as jnp
import numpy as np

N = 10000
E = 320000
F_IN = 128
H = 128
C = 10
G = 64


def setup_inputs(seed: int = 0) -> dict:
    key = jax.random.key(seed)
    ks = jax.random.split(key, 12)
    x = jax.random.normal(ks[0], (N, F_IN), dtype=jnp.float32)
    edge_index = jax.random.randint(ks[1], (2, E), 0, N, dtype=jnp.int32)
    batch = jnp.sort(jax.random.randint(ks[2], (N,), 0, G, dtype=jnp.int32))
    def glorot(k, fan_in, fan_out):
        s = jnp.sqrt(6.0 / (fan_in + fan_out))
        return jax.random.uniform(k, (fan_in, fan_out), jnp.float32, -s, s)
    W1 = glorot(ks[3], F_IN, H)
    b1 = jnp.zeros((H,), jnp.float32)
    W2 = glorot(ks[4], H, H)
    b2 = jnp.zeros((H,), jnp.float32)
    W3 = glorot(ks[5], H, H)
    b3 = jnp.zeros((H,), jnp.float32)
    Wl = glorot(ks[6], H, C)
    bl = jnp.zeros((C,), jnp.float32)
    return {"x": x, "edge_index": edge_index, "batch": batch,
            "W1": W1, "b1": b1, "W2": W2, "b2": b2,
            "W3": W3, "b3": b3, "Wl": Wl, "bl": bl}


def _gcn_conv(x, src, dst, W, b):
    # PyG GCNConv: h = X W, add self-loops, symmetric D^-1/2 (A+I) D^-1/2 aggregation, then + bias
    h = x @ W
    loop = jnp.arange(N, dtype=src.dtype)
    s = jnp.concatenate([src, loop])
    d = jnp.concatenate([dst, loop])
    deg = jnp.zeros((N,), h.dtype).at[d].add(1.0)
    dis = jnp.where(deg > 0, jax.lax.rsqrt(jnp.maximum(deg, 1e-12)), 0.0)
    norm = dis[s] * dis[d]
    msg = h[s] * norm[:, None]
    out = jnp.zeros_like(h).at[d].add(msg)
    return out + b


def reference(x, edge_index, batch, W1, b1, W2, b2, W3, b3, Wl, bl):
    src = edge_index[0]
    dst = edge_index[1]
    h = jax.nn.relu(_gcn_conv(x, src, dst, W1, b1))
    h = jax.nn.relu(_gcn_conv(h, src, dst, W2, b2))
    h = _gcn_conv(h, src, dst, W3, b3)
    sums = jax.ops.segment_sum(h, batch, num_segments=G)
    counts = jax.ops.segment_sum(jnp.ones((N,), h.dtype), batch, num_segments=G)
    pooled = sums / jnp.maximum(counts, 1.0)[:, None]
    # dropout is identity in eval mode
    return pooled @ Wl + bl

if __name__ == "__main__":
    import jax
    _d = setup_inputs()
    print(jax.jit(kernel)(*tuple(_d.values())))

</pallas_src>

<mosaic_0001>
#map = affine_map<(d0, d1) -> (0, 0, 0)>
#map1 = affine_map<(d0, d1) -> (0, 0)>
module attributes {stable_mosaic.version = 14 : i64} {
  func.func @deg_kernel(%arg0: i32, %arg1: i32, %arg2: memref<32x80x125xi32, #tpu.memory_space<hbm>>, %arg3: memref<125x128xf32, #tpu.memory_space<hbm>>, %arg4: memref<10112x128xf32, #tpu.memory_space<hbm>>, %arg5: memref<2x10112x128xf32, #tpu.memory_space<hbm>>, %arg6: memref<10112x128xf32, #tpu.memory_space<vmem_shared>>, %arg7: memref<80x125xi32, #tpu.memory_space<vmem>>, %arg8: memref<125x128xf32, #tpu.memory_space<vmem>>) attributes {dimension_semantics = [#tpu.dimension_semantics<core_parallel>, #tpu.dimension_semantics<subcore_parallel>], iteration_bounds = array<i64: 2, 16>, scalar_prefetch = 0 : i64, scratch_operands = 3 : i64, tpu.core_type = #tpu.core_type<sc_vector_subcore>, window_params = [{transform_indices = #map}, {transform_indices = #map1}, {transform_indices = #map1}, {transform_indices = #map}]} {
    %mul3A = arith.constant 2 : i32
    %mul3A_0 = arith.muli %arg1, %mul3A : i32
    %add3A = arith.addi %mul3A_0, %arg0 : i32
    %mul3A_1 = arith.constant 632 : i32
    %mul3A_2 = arith.muli %arg1, %mul3A_1 : i32
    %mul3A_3 = arith.constant 632 : i32
    %mul3A_4 = arith.muli %arg1, %mul3A_3 : i32
    "tpu.region"() ({
      %run_scoped3A = tpu.sem_alloc : memref<!tpu.dma_semaphore, #tpu.memory_space<semaphore_mem>>
      %dma_start3A = arith.constant 0 : i32
      %dma_start3A_14 = tpu.memref_slice %arg6[%mul3A_4, %dma_start3A] : memref<10112x128xf32, #tpu.memory_space<vmem_shared>> -> memref<632x128xf32, #tpu.memory_space<vmem_shared>>
      %dma_start3A_15 = arith.constant 0 : i32
      %dma_start3A_16 = tpu.memref_slice %arg4[%mul3A_2, %dma_start3A_15] : memref<10112x128xf32, #tpu.memory_space<hbm>> -> memref<632x128xf32, #tpu.memory_space<hbm>>
      tpu.enqueue_dma source(%dma_start3A_16 : memref<632x128xf32, #tpu.memory_space<hbm>>) target(%dma_start3A_14 : memref<632x128xf32, #tpu.memory_space<vmem_shared>>) target_semaphore(%run_scoped3A : memref<!tpu.dma_semaphore, #tpu.memory_space<semaphore_mem>>)
      %dma_wait3A = arith.constant 0 : i32
      %dma_wait3A_17 = tpu.memref_slice %arg6[%mul3A_4, %dma_wait3A] : memref<10112x128xf32, #tpu.memory_space<vmem_shared>> -> memref<632x128xf32, #tpu.memory_space<vmem_shared>>
      %dma_wait3A_18 = arith.constant 0 : i32
      %dma_wait3A_19 = tpu.memref_slice %arg4[%mul3A_2, %dma_wait3A_18] : memref<10112x128xf32, #tpu.memory_space<hbm>> -> memref<632x128xf32, #tpu.memory_space<hbm>>
      tpu.wait_dma2 semaphore(%run_scoped3A : memref<!tpu.dma_semaphore, #tpu.memory_space<semaphore_mem>>) src(%dma_wait3A_19 : memref<632x128xf32, #tpu.memory_space<hbm>>) dst(%dma_wait3A_17 : memref<632x128xf32, #tpu.memory_space<vmem_shared>>)
      tpu.yield
    }) : () -> ()
    "tpu.region"() ({
      %run_scoped3A = tpu.sem_alloc : memref<!tpu.dma_semaphore, #tpu.memory_space<semaphore_mem>>
      %dma_start3A = arith.constant 0 : i32
      %dma_start3A_14 = arith.constant 0 : i32
      %dma_start3A_15 = tpu.memref_slice %arg2[%add3A, %dma_start3A, %dma_start3A_14] : memref<32x80x125xi32, #tpu.memory_space<hbm>> -> memref<1x80x125xi32, #tpu.memory_space<hbm>>
      %dma_start3A_16 = tpu.memref_squeeze %dma_start3A_15 : memref<1x80x125xi32, #tpu.memory_space<hbm>> -> memref<80x125xi32, #tpu.memory_space<hbm>>
      %dma_start3A_17 = arith.constant 0 : i32
      %dma_start3A_18 = arith.constant 0 : i32
      %dma_start3A_19 = tpu.memref_slice %arg2[%add3A, %dma_start3A_17, %dma_start3A_18] : memref<32x80x125xi32, #tpu.memory_space<hbm>> -> memref<1x80x125xi32, #tpu.memory_space<hbm>>
      %dma_start3A_20 = tpu.memref_squeeze %dma_start3A_19 : memref<1x80x125xi32, #tpu.memory_space<hbm>> -> memref<80x125xi32, #tpu.memory_space<hbm>>
      tpu.enqueue_dma source(%dma_start3A_20 : memref<80x125xi32, #tpu.memory_space<hbm>>) target(%arg7 : memref<80x125xi32, #tpu.memory_space<vmem>>) target_semaphore(%run_scoped3A : memref<!tpu.dma_semaphore, #tpu.memory_space<semaphore_mem>>)
      %dma_wait3A = arith.constant 0 : i32
      %dma_wait3A_21 = arith.constant 0 : i32
      %dma_wait3A_22 = tpu.memref_slice %arg2[%add3A, %dma_wait3A, %dma_wait3A_21] : memref<32x80x125xi32, #tpu.memory_space<hbm>> -> memref<1x80x125xi32, #tpu.memory_space<hbm>>
      %dma_wait3A_23 = tpu.memref_squeeze %dma_wait3A_22 : memref<1x80x125xi32, #tpu.memory_space<hbm>> -> memref<80x125xi32, #tpu.memory_space<hbm>>
      %dma_wait3A_24 = arith.constant 0 : i32
      %dma_wait3A_25 = arith.constant 0 : i32
      %dma_wait3A_26 = tpu.memref_slice %arg2[%add3A, %dma_wait3A_24, %dma_wait3A_25] : memref<32x80x125xi32, #tpu.memory_space<hbm>> -> memref<1x80x125xi32, #tpu.memory_space<hbm>>
      %dma_wait3A_27 = tpu.memref_squeeze %dma_wait3A_26 : memref<1x80x125xi32, #tpu.memory_space<hbm>> -> memref<80x125xi32, #tpu.memory_space<hbm>>
      tpu.wait_dma2 semaphore(%run_scoped3A : memref<!tpu.dma_semaphore, #tpu.memory_space<semaphore_mem>>) src(%dma_wait3A_27 : memref<80x125xi32, #tpu.memory_space<hbm>>) dst(%arg7 : memref<80x125xi32, #tpu.memory_space<vmem>>)
      tpu.yield
    }) : () -> ()
    "tpu.region"() ({
      %run_scoped3A = tpu.sem_alloc : memref<!tpu.dma_semaphore, #tpu.memory_space<semaphore_mem>>
      tpu.enqueue_dma source(%arg3 : memref<125x128xf32, #tpu.memory_space<hbm>>) target(%arg8 : memref<125x128xf32, #tpu.memory_space<vmem>>) target_semaphore(%run_scoped3A : memref<!tpu.dma_semaphore, #tpu.memory_space<semaphore_mem>>)
      tpu.wait_dma2 semaphore(%run_scoped3A : memref<!tpu.dma_semaphore, #tpu.memory_space<semaphore_mem>>) src(%arg3 : memref<125x128xf32, #tpu.memory_space<hbm>>) dst(%arg8 : memref<125x128xf32, #tpu.memory_space<vmem>>)
      tpu.yield
    }) : () -> ()
    %barrier3A = arith.constant 0 : index
    tpu.barrier barrier_id(%barrier3A)
    %scan3A = arith.constant 0 : i32
    %scan3A_5 = arith.constant 80 : i32
    %scan3A_6 = arith.addi %scan3A, %scan3A_5 : i32
    %scan3A_7 = arith.constant 1 : i32
    scf.for %scan3A_14 = %scan3A to %scan3A_6 step %scan3A_7  : i32 {
      %mul3A_15 = arith.constant 1 : i32
      %mul3A_16 = arith.muli %scan3A_14, %mul3A_15 : i32
      %add3A_17 = arith.constant 0 : i32
      %add3A_18 = arith.addi %add3A_17, %mul3A_16 : i32
      "tpu.region"() ({
        %run_scoped3A = tpu.sem_alloc : memref<!tpu.dma_semaphore, #tpu.memory_space<semaphore_mem>>
        %dma_start3A = arith.constant 0 : i32
        %dma_start3A_19 = tpu.memref_slice %arg7[%add3A_18, %dma_start3A] : memref<80x125xi32, #tpu.memory_space<vmem>> -> memref<1x125xi32, #tpu.memory_space<vmem>>
        %dma_start3A_20 = tpu.memref_squeeze %dma_start3A_19 : memref<1x125xi32, #tpu.memory_space<vmem>> -> memref<125xi32, #tpu.memory_space<vmem>>
        %dma_start3A_21 = arith.constant 0 : i32
        %dma_start3A_22 = arith.constant 0 : i32
        %dma_start3A_23 = tpu.memref_slice %arg6[%dma_start3A_21, %dma_start3A_22] : memref<10112x128xf32, #tpu.memory_space<vmem_shared>> -> memref<10112x128xf32, #tpu.memory_space<vmem_shared>>
        tpu.enqueue_indirect_dma source(%arg8 : memref<125x128xf32, #tpu.memory_space<vmem>>) target(%dma_start3A_23 : memref<10112x128xf32, #tpu.memory_space<vmem_shared>>) offsets(%dma_start3A_20 : memref<125xi32, #tpu.memory_space<vmem>>) semaphore(%run_scoped3A : memref<!tpu.dma_semaphore, #tpu.memory_space<semaphore_mem>>) {add = true}
        %dma_wait3A = arith.constant 0 : i32
        %dma_wait3A_24 = tpu.memref_slice %arg7[%add3A_18, %dma_wait3A] : memref<80x125xi32, #tpu.memory_space<vmem>> -> memref<1x125xi32, #tpu.memory_space<vmem>>
        %dma_wait3A_25 = tpu.memref_squeeze %dma_wait3A_24 : memref<1x125xi32, #tpu.memory_space<vmem>> -> memref<125xi32, #tpu.memory_space<vmem>>
        %dma_wait3A_26 = arith.constant 0 : i32
        %dma_wait3A_27 = arith.constant 0 : i32
        %dma_wait3A_28 = tpu.memref_slice %arg6[%dma_wait3A_26, %dma_wait3A_27] : memref<10112x128xf32, #tpu.memory_space<vmem_shared>> -> memref<10112x128xf32, #tpu.memory_space<vmem_shared>>
        tpu.wait_indirect_dma semaphore(%run_scoped3A : memref<!tpu.dma_semaphore, #tpu.memory_space<semaphore_mem>>) src(%arg8 : memref<125x128xf32, #tpu.memory_space<vmem>>) dst(%dma_wait3A_28 : memref<10112x128xf32, #tpu.memory_space<vmem_shared>>)
        tpu.yield
      }) : () -> ()
    }
    %scan3A_8 = arith.constant 80 : i32
    %barrier3A_9 = arith.constant 0 : index
    tpu.barrier barrier_id(%barrier3A_9)
    %mul3A_10 = arith.constant 632 : i32
    %mul3A_11 = arith.muli %arg1, %mul3A_10 : i32
    %mul3A_12 = arith.constant 632 : i32
    %mul3A_13 = arith.muli %arg1, %mul3A_12 : i32
    "tpu.region"() ({
      %run_scoped3A = tpu.sem_alloc : memref<!tpu.dma_semaphore, #tpu.memory_space<semaphore_mem>>
      %dma_start3A = arith.constant 0 : i32
      %dma_start3A_14 = tpu.memref_slice %arg5[%arg0, %mul3A_13, %dma_start3A] : memref<2x10112x128xf32, #tpu.memory_space<hbm>> -> memref<1x632x128xf32, #tpu.memory_space<hbm>>
      %dma_start3A_15 = tpu.memref_squeeze %dma_start3A_14 : memref<1x632x128xf32, #tpu.memory_space<hbm>> -> memref<632x128xf32, #tpu.memory_space<hbm>>
      %dma_start3A_16 = arith.constant 0 : i32
      %dma_start3A_17 = tpu.memref_slice %arg6[%mul3A_11, %dma_start3A_16] : memref<10112x128xf32, #tpu.memory_space<vmem_shared>> -> memref<632x128xf32, #tpu.memory_space<vmem_shared>>
      tpu.enqueue_dma source(%dma_start3A_17 : memref<632x128xf32, #tpu.memory_space<vmem_shared>>) target(%dma_start3A_15 : memref<632x128xf32, #tpu.memory_space<hbm>>) target_semaphore(%run_scoped3A : memref<!tpu.dma_semaphore, #tpu.memory_space<semaphore_mem>>)
      %dma_wait3A = arith.constant 0 : i32
      %dma_wait3A_18 = tpu.memref_slice %arg5[%arg0, %mul3A_13, %dma_wait3A] : memref<2x10112x128xf32, #tpu.memory_space<hbm>> -> memref<1x632x128xf32, #tpu.memory_space<hbm>>
      %dma_wait3A_19 = tpu.memref_squeeze %dma_wait3A_18 : memref<1x632x128xf32, #tpu.memory_space<hbm>> -> memref<632x128xf32, #tpu.memory_space<hbm>>
      %dma_wait3A_20 = arith.constant 0 : i32
      %dma_wait3A_21 = tpu.memref_slice %arg6[%mul3A_11, %dma_wait3A_20] : memref<10112x128xf32, #tpu.memory_space<vmem_shared>> -> memref<632x128xf32, #tpu.memory_space<vmem_shared>>
      tpu.wait_dma2 semaphore(%run_scoped3A : memref<!tpu.dma_semaphore, #tpu.memory_space<semaphore_mem>>) src(%dma_wait3A_21 : memref<632x128xf32, #tpu.memory_space<vmem_shared>>) dst(%dma_wait3A_19 : memref<632x128xf32, #tpu.memory_space<hbm>>)
      tpu.yield
    }) : () -> ()
    return
  }
}

</mosaic_0001>

<sc_bundles>
// kernel: _sc_degree.3.cloned.1.call-start
scs
__scs_entry_jumppad:
0x0: {  	(pc) =	sbr.rel $0x88, $3  }
0x1: {  	(tag) =	ssettag $0x0;
	lr =	simm.s32 $0x1  }
0x2: {  	[smem:$0x3F9E] =	sst lr;
	_ =	strace $0xD0000000  }
0x3: {  	_ = 	snop  }
0x4: {  	_ = 	snop  }
0x5: {  	_ = 	snop  }
0x6: {  	_ = 	snop  }
0x7: {  	_ = 	snop  }
__scs_overlays_trampoline_lowered:
0x8: {  	[smem:$0x3FAD] =	sst s0  }
0x9: {  	[smem:$0x3FAE] =	sst s1  }
0xa: {  	[smem:$0x3FAF] =	sst s2  }
0xb: {  	[smem:$0x3FB0] =	sst s3  }
0xc: {  	[smem:$0x3FB1] =	sst s4  }
0xd: {  	[smem:$0x3FB2] =	sst s5  }
0xe: {  	[smem:$0x3FB3] =	sst s6  }
0xf: {  	[smem:$0x3FB4] =	sst s7  }
0x10: {  	[smem:$0x3FB5] =	sst s8  }
0x11: {  	[smem:$0x3FB6] =	sst s9;
	s0 =	simm.s32 @!p0 $0x0  }
0x12: {  	s1 =	sld [smem:$0x3F9C];
	s0 =	simm.s32 @p0 $0x1  }
0x13: {  	[smem:$0x3FB7] =	sst s0;
	s0 =	simm.s32 @!p1 $0x0  }
0x14: {  	s2 =	sld [smem:$0x3F9B];
	s0 =	simm.s32 @p1 $0x1  }
0x15: {  	[smem:$0x3FB8] =	sst s0;
	s0 =	simm.s32 @!p2 $0x0  }
0x16: {  	s3 =	sld [smem:$0x3FDB];
	s0 =	simm.s32 @p2 $0x1  }
0x17: {  	s4 =	simm.s32 $0x1BF5;
	[smem:$0x3FBA] =	sst s0  }
0x18: {  	s0 =	sld [smem:$0x3F9D];
	_ =	swait.ge [sflag:s4], $0x0  }
0x19: {  	s7 =	sld [smem:$0x3F9E]  }
0x1a: {  	s8 =	sadd.s32 $0xFFFFE003, lr  }
0x1b: {  	s9 =	sadd.s32 $0xFFFFFEF7, lr;
	s5 =	simm.s32 $0xFFFFFFFF;
	p2 =	slt.u32 s8, $0xFFFFF086  }
0x1c: {  	p1 =	slt.u32 s9, $0xF7A;
	s5 =	simm.s32 @!p2 $0x0  }
0x1d: {  	s5 =	simm.s32 @p1 $0x1;
	p0 =	seq.s32 s7, s2  }
0x1e: {  	s7 =	smul.u32 @!p0 $0xF7A, s2;
	p2 =	seq.s32 @!p0 s5, $0x0  }
0x1f: {  	s9 =	smul.u32 $0xF7A, s1;
	s8 =	simm.s32 @!p0 $0x1BF5;
	p2 =	por !p2, p0  }
0x20: {  	[sflag:s8] =	ssyncset.s32 @!p0 $0xFFFFF086;
	s6 =	sadd.s32 @!p0 s3, s7;
	s7 =	simm.s32 @!p0 $0x108  }
0x21: {  	s3 =	sadd.s32 s3, s9;
	s6 =	sadd.s32 @!p0 $0x88, s6;
	s7 =	simm.s32 @p2 $0x1082  }
0x22: {  	[simem:s7], [sflag:s8] =	dma.local @!p0 [hbm:s6], $0xF7A  }
0x23: {  	s9 =	sor.u32 $0xD0000000, s2;
	s6 =	simm.s32 $0x108;
	_ =	swait.ge @!p0 [sflag:s8], $0x0  }
0x24: {  	s3 =	sadd.s32 $0x88, s3;
	s6 =	simm.s32 @!p1 $0x1082;
	[sflag:s4] =	ssyncset.s32 $0xFFFFF086  }
0x25: {  	[simem:s6], [sflag:s4] =	dma.local [hbm:s3], $0xF7A  }
0x26: {  	[smem:$0x3F9E] =	sst s1;
	(tag) =	ssettag s2;
	_ =	strace s9  }
0x27: {  	s1 =	sld [smem:$0x3FAE]  }
0x28: {  	s2 =	sld [smem:$0x3FAF]  }
0x29: {  	s4 =	sld [smem:$0x3FB1]  }
0x2a: {  	p0 =	seq.s32 s5, $0x0;
	s5 =	sld [smem:$0x3FB2]  }
0x2b: {  	s6 =	sld [smem:$0x3FB3]  }
0x2c: {  	s7 =	sld [smem:$0x3FB4]  }
0x2d: {  	s3 =	simm.s32 $0x108;
	s8 =	sld [smem:$0x3FB5]  }
0x2e: {  	s3 =	simm.s32 @!p0 $0x1082;
	s9 =	sld [smem:$0x3FB6]  }
0x2f: {  	lr =	sadd.s32 s0, s3;
	s0 =	sld [smem:$0x3FAD]  }
0x30: {  	s3 =	sld [smem:$0x3FB0]  }
0x31: {  	[smem:$0x3FB9] =	sst s10  }
0x32: {  	s10 =	sld [smem:$0x3FB7];
	_ =	sdelay $0x3  }
0x33: {  	p0 =	seq.s32 s10, $0x1;
	s10 =	sld [smem:$0x3FB9];
	_ =	sdelay $0x3  }
0x34: {  	[smem:$0x3FB9] =	sst s10  }
0x35: {  	s10 =	sld [smem:$0x3FB8];
	_ =	sdelay $0x3  }
0x36: {  	p1 =	seq.s32 s10, $0x1;
	s10 =	sld [smem:$0x3FB9];
	_ =	sdelay $0x3  }
0x37: {  	[smem:$0x3FB9] =	sst s10  }
0x38: {  	s10 =	sld [smem:$0x3FBA]  }
0x39: {  	_ = 	snop;
	(pc) =	sbr.ind lr, $3  }
0x3a: {  	_ = 	snop  }
0x3b: {  	_ = 	snop  }
0x3c: {  	p2 =	seq.s32 s10, $0x1;
	s10 =	sld [smem:$0x3FB9]  }
0x3d: {  	_ =	shalt  }
0x3e: {  	_ =	shalt  }
0x3f: {  	_ =	shalt  }
0x40: {  	_ =	shalt  }
0x41: {  	_ =	shalt  }
0x42: {  	_ =	shalt  }
0x43: {  	_ =	shalt  }
0x44: {  	_ =	shalt  }
0x45: {  	_ =	shalt  }
0x46: {  	_ =	shalt  }
0x47: {  	_ =	shalt  }
0x48: {  	_ =	shalt  }
0x49: {  	_ =	shalt  }
0x4a: {  	_ =	shalt  }
0x4b: {  	_ =	shalt  }
0x4c: {  	_ =	shalt  }
0x4d: {  	_ =	shalt  }
0x4e: {  	_ =	shalt  }
0x4f: {  	_ =	shalt  }
0x50: {  	_ =	shalt  }
0x51: {  	_ =	shalt  }
0x52: {  	_ =	shalt  }
0x53: {  	_ =	shalt  }
0x54: {  	_ =	shalt  }
0x55: {  	_ =	shalt  }
0x56: {  	_ =	shalt  }
0x57: {  	_ =	shalt  }
0x58: {  	_ =	shalt  }
0x59: {  	_ =	shalt  }
0x5a: {  	_ =	shalt  }
0x5b: {  	_ =	shalt  }
0x5c: {  	_ =	shalt  }
0x5d: {  	_ =	shalt  }
0x5e: {  	_ =	shalt  }
0x5f: {  	_ =	shalt  }
0x60: {  	_ =	shalt  }
0x61: {  	_ =	shalt  }
0x62: {  	_ =	shalt  }
0x63: {  	_ =	shalt  }
0x64: {  	_ =	shalt  }
0x65: {  	_ =	shalt  }
0x66: {  	_ =	shalt  }
0x67: {  	_ =	shalt  }
0x68: {  	_ =	shalt  }
0x69: {  	_ =	shalt  }
0x6a: {  	_ =	shalt  }
0x6b: {  	_ =	shalt  }
0x6c: {  	_ =	shalt  }
0x6d: {  	_ =	shalt  }
0x6e: {  	_ =	shalt  }
0x6f: {  	_ =	shalt  }
0x70: {  	_ =	shalt  }
0x71: {  	_ =	shalt  }
0x72: {  	_ =	shalt  }
0x73: {  	_ =	shalt  }
0x74: {  	_ =	shalt  }
0x75: {  	_ =	shalt  }
0x76: {  	_ =	shalt  }
0x77: {  	_ =	shalt  }
0x78: {  	_ =	shalt  }
0x79: {  	_ =	shalt  }
0x7a: {  	_ =	shalt  }
0x7b: {  	_ =	shalt  }
0x7c: {  	_ =	shalt  }
0x7d: {  	_ =	shalt  }
0x7e: {  	_ =	shalt  }
0x7f: {  	_ =	shalt  }
0x80: {  	_ =	shalt  }
0x81: {  	_ =	shalt  }
0x82: {  	_ =	shalt  }
0x83: {  	_ =	shalt  }
0x84: {  	_ =	shalt  }
0x85: {  	_ =	shalt  }
0x86: {  	_ =	shalt  }
0x87: {  	_ =	shalt  }
.Lfunc_end0:
.L_simem_size_0:
called_computation_lowered:
.L_overlay_start_0:
0x88: {  	s2 =	sld [smem:$0x3FD9]  }
0x89: {  	s3 =	sld [smem:$0x3FFE];
	_ =	sdelay $0x1  }
0x8a: {  	s1 =	srdreg.scid  }
0x8b: {  	s0 =	sand.u32 $0x1, s1  }
0x8c: {  	s18 =	sshll.u32 s0, $0xA;
	s2 =	sadd.s32 s3, s2  }
0x8d: {  	s2 =	sadd.s32 s2, s18  }
0x8e: {  	[smem:$0x3FC5] =	sst s2  }
0x8f: {  	_ = 	snop  }
0x90: {  	s2 =	sld [smem:$0x3FC9]  }
0x91: {  	s19 =	sld [smem:$0x3FC8]  }
0x92: {  	s4 =	sld [smem:$0x3FC7]  }
0x93: {  	s5 =	sld [smem:$0x3FD0];
	(tm) =	ssettm $0x1  }
0x94: {  	s6 =	sld [smem:$0x3FFB];
	_ =	sdelay $0x3  }
0x95: {  	_ =	strace s6  }
0x96: {  	s6 =	sld [smem:$0x3FFC];
	_ =	sdelay $0x3  }
0x97: {  	_ =	strace s6  }
0x98: {  	s6 =	sld [smem:$0x3FFD];
	_ =	sdelay $0x3  }
0x99: {  	_ =	strace s6  }
0x9a: {  	_ =	strace $0x8FFFFFFF  }
0x9b: {  	s20 =	sld [smem:$0x3FDB];
	_ =	sdelay $0x1  }
0x9c: {  	s7 =	simm.s32 $_scs_section_size  }
0x9d: {  	s8 =	simm.s32 $_size__tile_overlayer_lowered;
	s9 =	simm.s32 $_tile_overlayer_lowered  }
0x9e: {  	s23 =	simm.s32 $0x1BFF;
	s22 =	sshll.u32 s9, $0x1;
	s6 =	sadd.s32 s7, s20  }
0x9f: {  	s10 =	simm.s32 $0x0;
	s21 =	sshll.u32 s8, $0x1;
	s8 =	sadd.s32 s22, s6  }
0xa0: {  	[timem:s10], [sflag:s23] =	dma.local [hbm:s8], s21  }
0xa1: {  	_ =	swait.ge [sflag:s23], s21  }
0xa2: {  	s7 =	ssub.s32 $0x0, s21;
	[sflag:s23] =	ssyncset.done $0x0  }
0xa3: {  	[sflag:s23] =	ssyncadd.s32 s7;
	_ =	sdelay $0x1  }
0xa4: {  	s24 =	simm.s32 $0x1B8B  }
0xa5: {  	_ =	swait.ge [sflag:s24], $0x1  }
0xa6: {  	[sflag:s24] =	ssyncset.done $0x0  }
0xa7: {  	s25 =	simm.s32 $0x1B8E;
	[sflag:s24] =	ssyncadd.s32 $0xFFFFFFFF  }
0xa8: {  	s26 =	simm.s32 $execute0_lowered;
	[smem:$0x3FD2] =	sst s25  }
0xa9: {  	s7 =	sshll.u32 s26, $0x1;
	_ =	strace $0x80000046;
	[dreg:$0x1] =	wrdreg $0xFFFFFFFF  }
0xaa: {  	s28 =	simm.s32 $_size_execute0_lowered;
	s6 =	sadd.s32 s6, s7;
	[dreg:$0x0] =	wrdreg $0x0  }
0xab: {  	s7 =	sshll.u32 s28, $0x1;
	[dreg:$0x2] =	wrdreg s6  }
0xac: {  	[dreg:$0x3] =	wrdreg s7  }
0xad: {  	[dreg:$0x4] =	wrdreg $0xC0  }
0xae: {  	_ =	task [dreg:s10], $0x5FFFF  }
0xaf: {  	[dreg:$0x1] =	wrdreg $0xFFFFFFFF  }
0xb0: {  	[dreg:$0x0] =	wrdreg $0x60  }
0xb1: {  	[dreg:$0x2] =	wrdreg s2  }
0xb2: {  	[dreg:$0x3] =	wrdreg s19  }
0xb3: {  	[dreg:$0x4] =	wrdreg s4  }
0xb4: {  	[dreg:$0x5] =	wrdreg s5  }
0xb5: {  	[dreg:$0x6] =	wrdreg $0x0  }
0xb6: {  	[dreg:$0x7] =	wrdreg $0x9  }
0xb7: {  	_ =	task.clear_ibuf [dreg:s10], $0x8FFFF;
	_ =	strace $0x90000046  }
0xb8: {  	s29 =	simm.s32 $0x9;
	_ =	strace $0x80000048  }
0xb9: {  	_ =	swait.ge [sflag:s29], $0x1  }
0xba: {  	[sflag:s29] =	ssyncadd.s32 $0xFFFFFFFF  }
0xbb: {  	_ =	strace $0x90000048  }
0xbc: {  	_ =	sfence  }
0xbd: {  	s30 =	sld [smem:$0x0];
	_ =	sdelay $0x2  }
0xbe: {  	s31 =	sshll.u32 s1, $0xD;
	s1 =	sshrl.u32 s1, $0x2  }
0xbf: {  	s3 =	sand.u32 $0x4000, s31;
	s1 =	sadd.s32 s1, s30  }
0xc0: {  	s0 =	sor.u32 s3, s0;
	s1 =	sshll.u32 s1, $0x11  }
0xc1: {  	s0 =	sor.u32 s1, s0  }
0xc2: {  	s0 =	sadd.s32 $0x8F2B, s0  }
0xc3: {  	[sflag:s0] =	ssyncadd.remote.s32 $0x1  }
0xc4: {  	_ =	sfence.sel $0xFFFF  }
0xc5: {  	[dreg:$0x0] =	wrdreg $0xFFFFFFFF;
	(pc) =	sbr.abs _section_cstart, $3  }
0xc6: {  	[dreg:$0x1] =	wrdreg $0xFFFFFFFF  }
0xc7: {  	_ =	task.clear_ibuf [dreg:s10], $0x2FFFF;
	_ =	strace $0x9FFFFFFF  }
0xc8: {  	(tm) =	ssettm $0x7FFFFFFF  }
0xc9: {  	_ =	shalt  }
tec
execute0_lowered:
.L_overlay_start_1:
0x0: {  	(tag) =	ssettag $0x1  }
0x1: {  	s7 =	rddreg [dreg:$0x0]  }
0x2: {  	s1 =	rddreg [dreg:$0x1]  }
0x3: {  	s5 =	rddreg [dreg:$0x2]  }
0x4: {  	s8 =	rddreg [dreg:$0x3];
	s3 =	srdreg.scid  }
0x5: {  	s2 =	rddreg [dreg:$0x4];
	s6 =	sand.u32 $0x1, s3;
	s3 =	stileid.u32  }
0x6: {  	s0 =	rddreg [dreg:$0x5];
	s4 =	simm.s32 $0x0;
	s11 =	smul.u32 $0x4F000, s3  }
0x7: {  	[smem:$0x7FF] =	sst s4;
	s9 =	ssub.s32 $0x2, s6;
	s30 =	smul.u32 $0x13C00, s3  }
0x8: {  	_ =	strace $0x80000047;
	s12 =	sshll.u32 s3, $0x1;
	s13 =	smul.u32 $0x13C000, s6  }
0x9: {  	s31 =	sshll.u32 s3, $0x6;
	s10 =	sshrl.u32 s9, $0x1;
	s6 =	sor.u32 s6, s12  }
0xa: {  	s12 =	simm.s32 $0x13C00;
	s9 =	ssub.s32 s9, s10;
	s11 =	sshrl.u32 s11, $0x2  }
0xb: {  	s14 =	sshrl.u32 s30, $0x3;
	s15 =	smul.u32 $0x500, s6;
	s10 =	sadd.s32 s30, s13  }
0xc: {  	s6 =	sor.u32 $0x1C01, s31;
	s13 =	simm.s32 $0x16400;
	s11 =	sadd.s32 s11, s2  }
0xd: {  	s5 =	sadd.s32 s5, s14;
	s10 =	sshrl.u32 s10, $0x3;
	s9 =	smax.u32 s9, $0x1  }
0xe: {  	s14 =	simm.s32 $0x7D;
	s7 =	sadd.s32 s7, s15;
	s8 =	sadd.s32 s8, s10  }
0xf: {  	s10 =	sshrl.u32 s11, $0x3;
	s11 =	simm.s32 $0x1;
	s15 =	simm.s32 $0x0  }
.LBB2_1:
0x10: {  	[spmem:s10], [sflag:s6] =	dma.local [hbm:s5], $0x2780  }
0x11: {  	_ =	swait.ge [sflag:s11], $0x2780  }
0x12: {  	[sflag:s11] =	ssyncset.done $0x0  }
0x13: {  	[sflag:s11] =	ssyncadd.s32 $0xFFFFD880  }
0x14: {  	[tilespmem:s12], [sflag:$0x1] =	stream.linear.gather [hbm4b:s7+s4], $0x2800, $0x38;
	[tilespmem:$0x1A400] =	vst v63  }
0x15: {  	_ =	swait.ge [sflag:s11], $0x2800  }
0x16: {  	[sflag:s11] =	ssyncset.done $0x0  }
0x17: {  	[sflag:s11] =	ssyncadd.s32 $0xFFFFD800  }
0x18: {  	[tilespmem:s13], [sflag:$0x1] =	stream.linear.gather [hbm4b:s1+s4], $0x3E80, $0x38;
	[tilespmem:$0x1A400] =	vst v63  }
0x19: {  	_ =	swait.ge [sflag:s11], $0x3E80  }
0x1a: {  	[sflag:s11] =	ssyncset.done $0x0  }
0x1b: {  	[sflag:s11] =	ssyncadd.s32 $0xFFFFC180  }
0x1c: {  	s16 =	simm.s32 $0x13C00;
	[bflag:$0x0] =	sbarrier.arrive $0xFFFF  }
0x1d: {  	[spmem:s2] =	stream.indirect.scatter.add.f32 [tilespmem:s13], [sflag:$0x1], $0x80, s16, s14, $0xb8;
	[tilespmem:$0x1A400] =	vst v63  }
0x1e: {  	s16 =	simm.s32 $0x200;
	_ =	swait.ge [sflag:s11], $0x3E80  }
.LBB2_2:
0x1f: {  	s17 =	sshra.s32 s16, $0x2;
	[sflag:s11] =	ssyncset.done $0x0;
	p0 =	sne.s32 s16, $0x9E00  }
.Ltmp0:
0x20: {  	s17 =	sadd.s32 $0x13C00, s17;
	[sflag:s11] =	ssyncadd.s32 $0xFFFFC180;
	(pc) =	sbr.rel @p0 .LBB2_2-.Ltmp0, $3  }
0x21: {  	[spmem:s2] =	stream.indirect.scatter.add.f32 [tilespmem:s13], [sflag:$0x1], $0x80, s17, s14, $0xb8;
	[tilespmem:$0x1A400] =	vst v63  }
0x22: {  	s16 =	sadd.s32 $0x200, s16;
	_ =	sdelay $0x1  }
0x23: {  	_ =	swait.ge [sflag:s11], $0x3E80  }
0x24: {  	[sflag:s11] =	ssyncset.done $0x0;
	s15 =	sadd.s32 $0x1, s15  }
0x25: {  	[sflag:s11] =	ssyncadd.s32 $0xFFFFC180;
	p0 =	sne.s32 s15, s9  }
.Ltmp1:
0x26: {  	[bflag:$0x0] =	sbarrier.arrive $0xFFFF;
	(pc) =	sbr.rel @p0 .LBB2_1-.Ltmp1, $4  }
0x27: {  	[hbm:s8], [sflag:s6] =	dma.local [spmem:s10], $0x2780  }
0x28: {  	_ =	swait.ge [sflag:s11], $0x2780  }
0x29: {  	[sflag:s11] =	ssyncset.done $0x0  }
0x2a: {  	[sflag:s11] =	ssyncadd.s32 $0xFFFFD880  }
0x2b: {  	_ =	sfence.sel $0x180000  }
0x2c: {  	[bflag:$0x0] =	sbarrier.arrive $0xFFFF  }
0x2d: {  	p0 =	sne.s32 s3, $0x0;
	_ =	strace $0x90000047  }
0x2e: {  	s0 =	sadd.s32 @!p0 $0x100000, s0;
	[bflag:$0x2] =	sbarrier.arrive $0xFFFF  }
0x2f: {  	[sflag:s0] =	ssyncadd.tile.s32 @!p0 $0x1;
	_ =	shalt  }
.Lfunc_end2:
_tile_overlayer_lowered:
.L_overlay_start_2:
0x30: {  	(tag) =	ssettag $0x2  }
0x31: {  	s0 =	rddreg [dreg:$0x0];
	s2 =	stileid.u32  }
0x32: {  	s1 =	rddreg [dreg:$0x1];
	p0 =	sne.s32 s2, $0x0  }
0x33: {  	s3 =	rddreg [dreg:$0x2];
	[bflag:$0x3] =	sbarrier.arrive $0xFFFF;
	s2 =	simm.s32 @!p0 $0x1C01  }
0x34: {  	[timem:s3], [sflag:s2] =	dma.local @!p0 [hbm:s0], s1  }
0x35: {  	s0 =	simm.s32 @!p0 $0x1  }
0x36: {  	_ =	swait.ge @!p0 [sflag:s0], s1  }
0x37: {  	s1 =	ssub.s32 @!p0 $0x0, s1;
	[sflag:s0] =	ssyncset.done @!p0 $0x0  }
0x38: {  	[sflag:s0] =	ssyncadd.s32 @!p0 s1  }
0x39: {  	[bflag:$0x3] =	sbarrier.arrive $0xFFFF  }
0x3a: {  	_ =	shalt  }

</sc_bundles>
